<compile_context>
chip_gen: v7x
topology: tpu7x:2x2x1
jax: 0.10.2.dev20260603
libtpu: 0.0.44.dev20260713+nightly
codegen_flags: <defaults>
</compile_context>

<pallas_src>
import functools

import jax
import jax.numpy as jnp
from jax import lax
from jax.experimental import pallas as pl
from jax.experimental.pallas import tpu as pltpu
from jax.experimental.pallas import tpu_sc as plsc

_NUM_CORES = 2
_NUM_SUBCORES = 16
_NW = _NUM_CORES * _NUM_SUBCORES


@functools.partial(jax.jit, static_argnums=(2,))
def _emb_gather(Wp, idx, B):
    DP = Wp.shape[1]
    b_per_w = B // _NW
    CH = 256
    n_chunks = b_per_w // CH
    assert n_chunks % 2 == 0
    mesh = plsc.VectorSubcoreMesh(core_axis_name="c", subcore_axis_name="s")

    @functools.partial(
        pl.kernel,
        out_type=jax.ShapeDtypeStruct((B, DP), jnp.float32),
        mesh=mesh,
        compiler_params=pltpu.CompilerParams(use_tc_tiling_on_sc=True),
        scratch_types=[
            pltpu.VMEM((b_per_w,), jnp.int32),
            pltpu.VMEM((CH, DP), jnp.float32),
            pltpu.VMEM((CH, DP), jnp.float32),
            pltpu.SemaphoreType.DMA,
            pltpu.SemaphoreType.DMA,
            pltpu.SemaphoreType.DMA,
            pltpu.SemaphoreType.DMA,
        ],
    )
    def k(table_hbm, idx_hbm, out_hbm, idx_v, buf0, buf1, gs0, gs1, ss0, ss1):
        wid = lax.axis_index("s") * _NUM_CORES + lax.axis_index("c")
        base = wid * b_per_w
        pltpu.sync_copy(idx_hbm.at[pl.ds(base, b_per_w)], idx_v)

        def g_start(i, buf, sem):
            pltpu.async_copy(table_hbm.at[idx_v.at[pl.ds(i * CH, CH)]], buf, sem)

        def g_wait(buf, sem):
            pltpu.make_async_copy(
                table_hbm.at[idx_v.at[pl.ds(0, CH)]], buf, sem
            ).wait()

        def s_start(i, buf, sem):
            pltpu.async_copy(buf, out_hbm.at[pl.ds(base + i * CH, CH)], sem)

        def s_wait(buf, sem):
            pltpu.make_async_copy(buf, out_hbm.at[pl.ds(base, CH)], sem).wait()

        g_start(0, buf0, gs0)
        n2 = n_chunks // 2

        @pl.loop(0, n2)
        def _(g):
            i0 = 2 * g

            @pl.when(g > 0)
            def _():
                s_wait(buf1, ss1)

            g_start(i0 + 1, buf1, gs1)
            g_wait(buf0, gs0)
            s_start(i0, buf0, ss0)

            @pl.when(g < n2 - 1)
            def _():
                s_wait(buf0, ss0)
                g_start(i0 + 2, buf0, gs0)

            g_wait(buf1, gs1)
            s_start(i0 + 1, buf1, ss1)

        s_wait(buf0, ss0)
        s_wait(buf1, ss1)

    return k(Wp, idx)


def kernel(x, W):
    B, T = x.shape
    V, D = W.shape
    Wp = jnp.pad(W, ((0, 0), (0, 128 - D)))
    idx = x.reshape(-1)
    outp = _emb_gather(Wp, idx, B * T)
    return outp.reshape(B, T, 128)[:, :, :D]

# --- scband reference (transcript-rebuilt; emitter-appended) ---
"""Pipeline reference for scband-emb-layer-39651138076816 (READ-ONLY COPY).

The authoritative reference and input builder live on the scoring server;
editing this copy changes nothing except your own understanding.
"""

import jax, jax.numpy as jnp
import numpy as np

VOCAB = 1000000
EMBED = 64
PAD_IDX = 0

def setup_inputs(seed: int = 0) -> dict:
    key = jax.random.key(seed)
    k1, k2 = jax.random.split(key)
    x = jax.random.randint(k1, (4096, 200), 0, VOCAB + 1, dtype=jnp.int64 if jax.config.jax_enable_x64 else jnp.int32).astype(jnp.int32)
    W = jax.random.normal(k2, (VOCAB + 1, EMBED), dtype=jnp.float32)
    # padding_idx row is zeroed in nn.Embedding init
    W = W.at[PAD_IDX].set(0.0)
    return {"x": x, "W": W}

def reference(x, W):
    # nn.Embedding lookup: out[b, t, :] = W[x[b, t], :]
    return jnp.take(W, x, axis=0)

if __name__ == "__main__":
    import jax
    _d = setup_inputs()
    print(jax.jit(kernel)(*tuple(_d.values())))

</pallas_src>

<mosaic_0001>
#map = affine_map<(d0, d1) -> (0, 0)>
#map1 = affine_map<(d0, d1) -> (0)>
module attributes {stable_mosaic.version = 14 : i64} {
  func.func @k(%arg0: i32, %arg1: i32, %arg2: memref<1000001x128xf32, #tpu.memory_space<hbm>>, %arg3: memref<819200xi32, #tpu.memory_space<hbm>>, %arg4: memref<819200x128xf32, #tpu.memory_space<hbm>>, %arg5: memref<25600xi32, #tpu.memory_space<vmem>>, %arg6: memref<256x128xf32, #tpu.memory_space<vmem>>, %arg7: memref<256x128xf32, #tpu.memory_space<vmem>>, %arg8: memref<!tpu.dma_semaphore, #tpu.memory_space<semaphore_mem>>, %arg9: memref<!tpu.dma_semaphore, #tpu.memory_space<semaphore_mem>>, %arg10: memref<!tpu.dma_semaphore, #tpu.memory_space<semaphore_mem>>, %arg11: memref<!tpu.dma_semaphore, #tpu.memory_space<semaphore_mem>>) attributes {dimension_semantics = [#tpu.dimension_semantics<core_parallel>, #tpu.dimension_semantics<subcore_parallel>], iteration_bounds = array<i64: 2, 16>, scalar_prefetch = 0 : i64, scratch_operands = 7 : i64, tpu.core_type = #tpu.core_type<sc_vector_subcore>, window_params = [{transform_indices = #map}, {transform_indices = #map1}, {transform_indices = #map}]} {
    %mul3A = arith.constant 2 : i32
    %mul3A_0 = arith.muli %arg1, %mul3A : i32
    %add3A = arith.addi %mul3A_0, %arg0 : i32
    %mul3A_1 = arith.constant 25600 : i32
    %mul3A_2 = arith.muli %add3A, %mul3A_1 : i32
    "tpu.region"() ({
      %run_scoped3A = tpu.sem_alloc : memref<!tpu.dma_semaphore, #tpu.memory_space<semaphore_mem>>
      %dma_start3A_18 = tpu.memref_slice %arg3[%mul3A_2] : memref<819200xi32, #tpu.memory_space<hbm>> -> memref<25600xi32, #tpu.memory_space<hbm>>
      %dma_start3A_19 = tpu.memref_slice %arg3[%mul3A_2] : memref<819200xi32, #tpu.memory_space<hbm>> -> memref<25600xi32, #tpu.memory_space<hbm>>
      tpu.enqueue_dma source(%dma_start3A_19 : memref<25600xi32, #tpu.memory_space<hbm>>) target(%arg5 : memref<25600xi32, #tpu.memory_space<vmem>>) target_semaphore(%run_scoped3A : memref<!tpu.dma_semaphore, #tpu.memory_space<semaphore_mem>>)
      %dma_wait3A_20 = tpu.memref_slice %arg3[%mul3A_2] : memref<819200xi32, #tpu.memory_space<hbm>> -> memref<25600xi32, #tpu.memory_space<hbm>>
      %dma_wait3A_21 = tpu.memref_slice %arg3[%mul3A_2] : memref<819200xi32, #tpu.memory_space<hbm>> -> memref<25600xi32, #tpu.memory_space<hbm>>
      tpu.wait_dma2 semaphore(%run_scoped3A : memref<!tpu.dma_semaphore, #tpu.memory_space<semaphore_mem>>) src(%dma_wait3A_21 : memref<25600xi32, #tpu.memory_space<hbm>>) dst(%arg5 : memref<25600xi32, #tpu.memory_space<vmem>>)
      tpu.yield
    }) : () -> ()
    %dma_start3A = arith.constant 0 : i32
    %dma_start3A_3 = tpu.memref_slice %arg5[%dma_start3A] : memref<25600xi32, #tpu.memory_space<vmem>> -> memref<256xi32, #tpu.memory_space<vmem>>
    %dma_start3A_4 = arith.constant 0 : i32
    %dma_start3A_5 = arith.constant 0 : i32
    %dma_start3A_6 = tpu.memref_slice %arg2[%dma_start3A_4, %dma_start3A_5] : memref<1000001x128xf32, #tpu.memory_space<hbm>> -> memref<1000001x128xf32, #tpu.memory_space<hbm>>
    tpu.enqueue_indirect_dma source(%dma_start3A_6 : memref<1000001x128xf32, #tpu.memory_space<hbm>>) target(%arg6 : memref<256x128xf32, #tpu.memory_space<vmem>>) offsets(%dma_start3A_3 : memref<256xi32, #tpu.memory_space<vmem>>) semaphore(%arg8 : memref<!tpu.dma_semaphore, #tpu.memory_space<semaphore_mem>>)
    %scan3A = arith.constant 0 : i32
    %scan3A_7 = arith.constant 50 : i32
    %scan3A_8 = arith.addi %scan3A, %scan3A_7 : i32
    %scan3A_9 = arith.constant 1 : i32
    scf.for %scan3A_18 = %scan3A to %scan3A_8 step %scan3A_9  : i32 {
      %mul3A_19 = arith.constant 1 : i32
      %mul3A_20 = arith.muli %scan3A_18, %mul3A_19 : i32
      %add3A_21 = arith.constant 0 : i32
      %add3A_22 = arith.addi %add3A_21, %mul3A_20 : i32
      %mul3A_23 = arith.constant 2 : i32
      %mul3A_24 = arith.muli %mul3A_23, %add3A_22 : i32
      %gt3A = arith.constant 0 : i32
      %gt3A_25 = arith.cmpi sgt, %add3A_22, %gt3A : i32
      %convert_element_type3A = arith.extui %gt3A_25 : i1 to i32
      %cond3A = arith.constant 0 : i32
      %cond3A_26 = arith.cmpi ne, %convert_element_type3A, %cond3A : i32
      scf.if %cond3A_26 {
        %dma_wait3A_65 = arith.constant 0 : i32
        %dma_wait3A_66 = tpu.memref_slice %arg4[%mul3A_2, %dma_wait3A_65] : memref<819200x128xf32, #tpu.memory_space<hbm>> -> memref<256x128xf32, #tpu.memory_space<hbm>>
        %dma_wait3A_67 = arith.constant 0 : i32
        %dma_wait3A_68 = tpu.memref_slice %arg4[%mul3A_2, %dma_wait3A_67] : memref<819200x128xf32, #tpu.memory_space<hbm>> -> memref<256x128xf32, #tpu.memory_space<hbm>>
        tpu.wait_dma2 semaphore(%arg11 : memref<!tpu.dma_semaphore, #tpu.memory_space<semaphore_mem>>) src(%arg7 : memref<256x128xf32, #tpu.memory_space<vmem>>) dst(%dma_wait3A_68 : memref<256x128xf32, #tpu.memory_space<hbm>>)
      } else {
      }
      %add3A_27 = arith.constant 1 : i32
      %add3A_28 = arith.addi %mul3A_24, %add3A_27 : i32
      %mul3A_29 = arith.constant 256 : i32
      %mul3A_30 = arith.muli %add3A_28, %mul3A_29 : i32
      %dma_start3A_31 = tpu.memref_slice %arg5[%mul3A_30] : memref<25600xi32, #tpu.memory_space<vmem>> -> memref<256xi32, #tpu.memory_space<vmem>>
      %dma_start3A_32 = arith.constant 0 : i32
      %dma_start3A_33 = arith.constant 0 : i32
      %dma_start3A_34 = tpu.memref_slice %arg2[%dma_start3A_32, %dma_start3A_33] : memref<1000001x128xf32, #tpu.memory_space<hbm>> -> memref<1000001x128xf32, #tpu.memory_space<hbm>>
      tpu.enqueue_indirect_dma source(%dma_start3A_34 : memref<1000001x128xf32, #tpu.memory_space<hbm>>) target(%arg7 : memref<256x128xf32, #tpu.memory_space<vmem>>) offsets(%dma_start3A_31 : memref<256xi32, #tpu.memory_space<vmem>>) semaphore(%arg9 : memref<!tpu.dma_semaphore, #tpu.memory_space<semaphore_mem>>)
      %dma_wait3A_35 = arith.constant 0 : i32
      %dma_wait3A_36 = tpu.memref_slice %arg5[%dma_wait3A_35] : memref<25600xi32, #tpu.memory_space<vmem>> -> memref<256xi32, #tpu.memory_space<vmem>>
      %dma_wait3A_37 = arith.constant 0 : i32
      %dma_wait3A_38 = arith.constant 0 : i32
      %dma_wait3A_39 = tpu.memref_slice %arg2[%dma_wait3A_37, %dma_wait3A_38] : memref<1000001x128xf32, #tpu.memory_space<hbm>> -> memref<1000001x128xf32, #tpu.memory_space<hbm>>
      tpu.wait_indirect_dma semaphore(%arg8 : memref<!tpu.dma_semaphore, #tpu.memory_space<semaphore_mem>>) src(%dma_wait3A_39 : memref<1000001x128xf32, #tpu.memory_space<hbm>>) dst(%arg6 : memref<256x128xf32, #tpu.memory_space<vmem>>)
      %mul3A_40 = arith.constant 256 : i32
      %mul3A_41 = arith.muli %mul3A_24, %mul3A_40 : i32
      %add3A_42 = arith.addi %mul3A_2, %mul3A_41 : i32
      %dma_start3A_43 = arith.constant 0 : i32
      %dma_start3A_44 = tpu.memref_slice %arg4[%add3A_42, %dma_start3A_43] : memref<819200x128xf32, #tpu.memory_space<hbm>> -> memref<256x128xf32, #tpu.memory_space<hbm>>
      %dma_start3A_45 = arith.constant 0 : i32
      %dma_start3A_46 = tpu.memref_slice %arg4[%add3A_42, %dma_start3A_45] : memref<819200x128xf32, #tpu.memory_space<hbm>> -> memref<256x128xf32, #tpu.memory_space<hbm>>
      tpu.enqueue_dma source(%arg6 : memref<256x128xf32, #tpu.memory_space<vmem>>) target(%dma_start3A_46 : memref<256x128xf32, #tpu.memory_space<hbm>>) target_semaphore(%arg10 : memref<!tpu.dma_semaphore, #tpu.memory_space<semaphore_mem>>)
      %lt3A = arith.constant 49 : i32
      %lt3A_47 = arith.cmpi slt, %add3A_22, %lt3A : i32
      %convert_element_type3A_48 = arith.extui %lt3A_47 : i1 to i32
      %cond3A_49 = arith.constant 0 : i32
      %cond3A_50 = arith.cmpi ne, %convert_element_type3A_48, %cond3A_49 : i32
      scf.if %cond3A_50 {
        %dma_wait3A_65 = arith.constant 0 : i32
        %dma_wait3A_66 = tpu.memref_slice %arg4[%mul3A_2, %dma_wait3A_65] : memref<819200x128xf32, #tpu.memory_space<hbm>> -> memref<256x128xf32, #tpu.memory_space<hbm>>
        %dma_wait3A_67 = arith.constant 0 : i32
        %dma_wait3A_68 = tpu.memref_slice %arg4[%mul3A_2, %dma_wait3A_67] : memref<819200x128xf32, #tpu.memory_space<hbm>> -> memref<256x128xf32, #tpu.memory_space<hbm>>
        tpu.wait_dma2 semaphore(%arg10 : memref<!tpu.dma_semaphore, #tpu.memory_space<semaphore_mem>>) src(%arg6 : memref<256x128xf32, #tpu.memory_space<vmem>>) dst(%dma_wait3A_68 : memref<256x128xf32, #tpu.memory_space<hbm>>)
        %add3A_69 = arith.constant 2 : i32
        %add3A_70 = arith.addi %mul3A_24, %add3A_69 : i32
        %mul3A_71 = arith.constant 256 : i32
        %mul3A_72 = arith.muli %add3A_70, %mul3A_71 : i32
        %dma_start3A_73 = tpu.memref_slice %arg5[%mul3A_72] : memref<25600xi32, #tpu.memory_space<vmem>> -> memref<256xi32, #tpu.memory_space<vmem>>
        %dma_start3A_74 = arith.constant 0 : i32
        %dma_start3A_75 = arith.constant 0 : i32
        %dma_start3A_76 = tpu.memref_slice %arg2[%dma_start3A_74, %dma_start3A_75] : memref<1000001x128xf32, #tpu.memory_space<hbm>> -> memref<1000001x128xf32, #tpu.memory_space<hbm>>
        tpu.enqueue_indirect_dma source(%dma_start3A_76 : memref<1000001x128xf32, #tpu.memory_space<hbm>>) target(%arg6 : memref<256x128xf32, #tpu.memory_space<vmem>>) offsets(%dma_start3A_73 : memref<256xi32, #tpu.memory_space<vmem>>) semaphore(%arg8 : memref<!tpu.dma_semaphore, #tpu.memory_space<semaphore_mem>>)
      } else {
      }
      %dma_wait3A_51 = arith.constant 0 : i32
      %dma_wait3A_52 = tpu.memref_slice %arg5[%dma_wait3A_51] : memref<25600xi32, #tpu.memory_space<vmem>> -> memref<256xi32, #tpu.memory_space<vmem>>
      %dma_wait3A_53 = arith.constant 0 : i32
      %dma_wait3A_54 = arith.constant 0 : i32
      %dma_wait3A_55 = tpu.memref_slice %arg2[%dma_wait3A_53, %dma_wait3A_54] : memref<1000001x128xf32, #tpu.memory_space<hbm>> -> memref<1000001x128xf32, #tpu.memory_space<hbm>>
      tpu.wait_indirect_dma semaphore(%arg9 : memref<!tpu.dma_semaphore, #tpu.memory_space<semaphore_mem>>) src(%dma_wait3A_55 : memref<1000001x128xf32, #tpu.memory_space<hbm>>) dst(%arg7 : memref<256x128xf32, #tpu.memory_space<vmem>>)
      %add3A_56 = arith.constant 1 : i32
      %add3A_57 = arith.addi %mul3A_24, %add3A_56 : i32
      %mul3A_58 = arith.constant 256 : i32
      %mul3A_59 = arith.muli %add3A_57, %mul3A_58 : i32
      %add3A_60 = arith.addi %mul3A_2, %mul3A_59 : i32
      %dma_start3A_61 = arith.constant 0 : i32
      %dma_start3A_62 = tpu.memref_slice %arg4[%add3A_60, %dma_start3A_61] : memref<819200x128xf32, #tpu.memory_space<hbm>> -> memref<256x128xf32, #tpu.memory_space<hbm>>
      %dma_start3A_63 = arith.constant 0 : i32
      %dma_start3A_64 = tpu.memref_slice %arg4[%add3A_60, %dma_start3A_63] : memref<819200x128xf32, #tpu.memory_space<hbm>> -> memref<256x128xf32, #tpu.memory_space<hbm>>
      tpu.enqueue_dma source(%arg7 : memref<256x128xf32, #tpu.memory_space<vmem>>) target(%dma_start3A_64 : memref<256x128xf32, #tpu.memory_space<hbm>>) target_semaphore(%arg11 : memref<!tpu.dma_semaphore, #tpu.memory_space<semaphore_mem>>)
    }
    %scan3A_10 = arith.constant 50 : i32
    %dma_wait3A = arith.constant 0 : i32
    %dma_wait3A_11 = tpu.memref_slice %arg4[%mul3A_2, %dma_wait3A] : memref<819200x128xf32, #tpu.memory_space<hbm>> -> memref<256x128xf32, #tpu.memory_space<hbm>>
    %dma_wait3A_12 = arith.constant 0 : i32
    %dma_wait3A_13 = tpu.memref_slice %arg4[%mul3A_2, %dma_wait3A_12] : memref<819200x128xf32, #tpu.memory_space<hbm>> -> memref<256x128xf32, #tpu.memory_space<hbm>>
    tpu.wait_dma2 semaphore(%arg10 : memref<!tpu.dma_semaphore, #tpu.memory_space<semaphore_mem>>) src(%arg6 : memref<256x128xf32, #tpu.memory_space<vmem>>) dst(%dma_wait3A_13 : memref<256x128xf32, #tpu.memory_space<hbm>>)
    %dma_wait3A_14 = arith.constant 0 : i32
    %dma_wait3A_15 = tpu.memref_slice %arg4[%mul3A_2, %dma_wait3A_14] : memref<819200x128xf32, #tpu.memory_space<hbm>> -> memref<256x128xf32, #tpu.memory_space<hbm>>
    %dma_wait3A_16 = arith.constant 0 : i32
    %dma_wait3A_17 = tpu.memref_slice %arg4[%mul3A_2, %dma_wait3A_16] : memref<819200x128xf32, #tpu.memory_space<hbm>> -> memref<256x128xf32, #tpu.memory_space<hbm>>
    tpu.wait_dma2 semaphore(%arg11 : memref<!tpu.dma_semaphore, #tpu.memory_space<semaphore_mem>>) src(%arg7 : memref<256x128xf32, #tpu.memory_space<vmem>>) dst(%dma_wait3A_17 : memref<256x128xf32, #tpu.memory_space<hbm>>)
    return
  }
}

</mosaic_0001>

<sc_bundles>
// kernel: _emb_gather.3.cloned.1.call-start
scs
__scs_entry_jumppad:
0x0: {  	(pc) =	sbr.rel $0x88, $3  }
0x1: {  	(tag) =	ssettag $0x0;
	lr =	simm.s32 $0x1  }
0x2: {  	[smem:$0x3F9F] =	sst lr;
	_ =	strace $0xD0000000  }
0x3: {  	_ = 	snop  }
0x4: {  	_ = 	snop  }
0x5: {  	_ = 	snop  }
0x6: {  	_ = 	snop  }
0x7: {  	_ = 	snop  }
__scs_overlays_trampoline_lowered:
0x8: {  	[smem:$0x3FAE] =	sst s0  }
0x9: {  	[smem:$0x3FAF] =	sst s1  }
0xa: {  	[smem:$0x3FB0] =	sst s2  }
0xb: {  	[smem:$0x3FB1] =	sst s3  }
0xc: {  	[smem:$0x3FB2] =	sst s4  }
0xd: {  	[smem:$0x3FB3] =	sst s5  }
0xe: {  	[smem:$0x3FB4] =	sst s6  }
0xf: {  	[smem:$0x3FB5] =	sst s7  }
0x10: {  	[smem:$0x3FB6] =	sst s8  }
0x11: {  	[smem:$0x3FB7] =	sst s9;
	s0 =	simm.s32 @!p0 $0x0  }
0x12: {  	s1 =	sld [smem:$0x3F9D];
	s0 =	simm.s32 @p0 $0x1  }
0x13: {  	[smem:$0x3FB8] =	sst s0;
	s0 =	simm.s32 @!p1 $0x0  }
0x14: {  	s2 =	sld [smem:$0x3F9C];
	s0 =	simm.s32 @p1 $0x1  }
0x15: {  	[smem:$0x3FB9] =	sst s0;
	s0 =	simm.s32 @!p2 $0x0  }
0x16: {  	s3 =	sld [smem:$0x3FDB];
	s0 =	simm.s32 @p2 $0x1  }
0x17: {  	s4 =	simm.s32 $0x1BF5;
	[smem:$0x3FBB] =	sst s0  }
0x18: {  	s0 =	sld [smem:$0x3F9E];
	_ =	swait.ge [sflag:s4], $0x0  }
0x19: {  	s7 =	sld [smem:$0x3F9F]  }
0x1a: {  	s8 =	sadd.s32 $0xFFFFE003, lr  }
0x1b: {  	s9 =	sadd.s32 $0xFFFFFEF7, lr;
	s5 =	simm.s32 $0xFFFFFFFF;
	p2 =	slt.u32 s8, $0xFFFFF086  }
0x1c: {  	p1 =	slt.u32 s9, $0xF7A;
	s5 =	simm.s32 @!p2 $0x0  }
0x1d: {  	s5 =	simm.s32 @p1 $0x1;
	p0 =	seq.s32 s7, s2  }
0x1e: {  	s7 =	smul.u32 @!p0 $0xF7A, s2;
	p2 =	seq.s32 @!p0 s5, $0x0  }
0x1f: {  	s9 =	smul.u32 $0xF7A, s1;
	s8 =	simm.s32 @!p0 $0x1BF5;
	p2 =	por !p2, p0  }
0x20: {  	[sflag:s8] =	ssyncset.s32 @!p0 $0xFFFFF086;
	s6 =	sadd.s32 @!p0 s3, s7;
	s7 =	simm.s32 @!p0 $0x108  }
0x21: {  	s3 =	sadd.s32 s3, s9;
	s6 =	sadd.s32 @!p0 $0x88, s6;
	s7 =	simm.s32 @p2 $0x1082  }
0x22: {  	[simem:s7], [sflag:s8] =	dma.local @!p0 [hbm:s6], $0xF7A  }
0x23: {  	s9 =	sor.u32 $0xD0000000, s2;
	s6 =	simm.s32 $0x108;
	_ =	swait.ge @!p0 [sflag:s8], $0x0  }
0x24: {  	s3 =	sadd.s32 $0x88, s3;
	s6 =	simm.s32 @!p1 $0x1082;
	[sflag:s4] =	ssyncset.s32 $0xFFFFF086  }
0x25: {  	[simem:s6], [sflag:s4] =	dma.local [hbm:s3], $0xF7A  }
0x26: {  	[smem:$0x3F9F] =	sst s1;
	(tag) =	ssettag s2;
	_ =	strace s9  }
0x27: {  	s1 =	sld [smem:$0x3FAF]  }
0x28: {  	s2 =	sld [smem:$0x3FB0]  }
0x29: {  	s4 =	sld [smem:$0x3FB2]  }
0x2a: {  	p0 =	seq.s32 s5, $0x0;
	s5 =	sld [smem:$0x3FB3]  }
0x2b: {  	s6 =	sld [smem:$0x3FB4]  }
0x2c: {  	s7 =	sld [smem:$0x3FB5]  }
0x2d: {  	s3 =	simm.s32 $0x108;
	s8 =	sld [smem:$0x3FB6]  }
0x2e: {  	s3 =	simm.s32 @!p0 $0x1082;
	s9 =	sld [smem:$0x3FB7]  }
0x2f: {  	lr =	sadd.s32 s0, s3;
	s0 =	sld [smem:$0x3FAE]  }
0x30: {  	s3 =	sld [smem:$0x3FB1]  }
0x31: {  	[smem:$0x3FBA] =	sst s10  }
0x32: {  	s10 =	sld [smem:$0x3FB8];
	_ =	sdelay $0x3  }
0x33: {  	p0 =	seq.s32 s10, $0x1;
	s10 =	sld [smem:$0x3FBA];
	_ =	sdelay $0x3  }
0x34: {  	[smem:$0x3FBA] =	sst s10  }
0x35: {  	s10 =	sld [smem:$0x3FB9];
	_ =	sdelay $0x3  }
0x36: {  	p1 =	seq.s32 s10, $0x1;
	s10 =	sld [smem:$0x3FBA];
	_ =	sdelay $0x3  }
0x37: {  	[smem:$0x3FBA] =	sst s10  }
0x38: {  	s10 =	sld [smem:$0x3FBB]  }
0x39: {  	_ = 	snop;
	(pc) =	sbr.ind lr, $3  }
0x3a: {  	_ = 	snop  }
0x3b: {  	_ = 	snop  }
0x3c: {  	p2 =	seq.s32 s10, $0x1;
	s10 =	sld [smem:$0x3FBA]  }
0x3d: {  	_ =	shalt  }
0x3e: {  	_ =	shalt  }
0x3f: {  	_ =	shalt  }
0x40: {  	_ =	shalt  }
0x41: {  	_ =	shalt  }
0x42: {  	_ =	shalt  }
0x43: {  	_ =	shalt  }
0x44: {  	_ =	shalt  }
0x45: {  	_ =	shalt  }
0x46: {  	_ =	shalt  }
0x47: {  	_ =	shalt  }
0x48: {  	_ =	shalt  }
0x49: {  	_ =	shalt  }
0x4a: {  	_ =	shalt  }
0x4b: {  	_ =	shalt  }
0x4c: {  	_ =	shalt  }
0x4d: {  	_ =	shalt  }
0x4e: {  	_ =	shalt  }
0x4f: {  	_ =	shalt  }
0x50: {  	_ =	shalt  }
0x51: {  	_ =	shalt  }
0x52: {  	_ =	shalt  }
0x53: {  	_ =	shalt  }
0x54: {  	_ =	shalt  }
0x55: {  	_ =	shalt  }
0x56: {  	_ =	shalt  }
0x57: {  	_ =	shalt  }
0x58: {  	_ =	shalt  }
0x59: {  	_ =	shalt  }
0x5a: {  	_ =	shalt  }
0x5b: {  	_ =	shalt  }
0x5c: {  	_ =	shalt  }
0x5d: {  	_ =	shalt  }
0x5e: {  	_ =	shalt  }
0x5f: {  	_ =	shalt  }
0x60: {  	_ =	shalt  }
0x61: {  	_ =	shalt  }
0x62: {  	_ =	shalt  }
0x63: {  	_ =	shalt  }
0x64: {  	_ =	shalt  }
0x65: {  	_ =	shalt  }
0x66: {  	_ =	shalt  }
0x67: {  	_ =	shalt  }
0x68: {  	_ =	shalt  }
0x69: {  	_ =	shalt  }
0x6a: {  	_ =	shalt  }
0x6b: {  	_ =	shalt  }
0x6c: {  	_ =	shalt  }
0x6d: {  	_ =	shalt  }
0x6e: {  	_ =	shalt  }
0x6f: {  	_ =	shalt  }
0x70: {  	_ =	shalt  }
0x71: {  	_ =	shalt  }
0x72: {  	_ =	shalt  }
0x73: {  	_ =	shalt  }
0x74: {  	_ =	shalt  }
0x75: {  	_ =	shalt  }
0x76: {  	_ =	shalt  }
0x77: {  	_ =	shalt  }
0x78: {  	_ =	shalt  }
0x79: {  	_ =	shalt  }
0x7a: {  	_ =	shalt  }
0x7b: {  	_ =	shalt  }
0x7c: {  	_ =	shalt  }
0x7d: {  	_ =	shalt  }
0x7e: {  	_ =	shalt  }
0x7f: {  	_ =	shalt  }
0x80: {  	_ =	shalt  }
0x81: {  	_ =	shalt  }
0x82: {  	_ =	shalt  }
0x83: {  	_ =	shalt  }
0x84: {  	_ =	shalt  }
0x85: {  	_ =	shalt  }
0x86: {  	_ =	shalt  }
0x87: {  	_ =	shalt  }
.Lfunc_end0:
.L_simem_size_0:
called_computation_lowered:
.L_overlay_start_0:
0x88: {  	s2 =	sld [smem:$0x3FD9]  }
0x89: {  	s3 =	sld [smem:$0x3FFE];
	_ =	sdelay $0x1  }
0x8a: {  	s1 =	srdreg.scid  }
0x8b: {  	s0 =	sand.u32 $0x1, s1  }
0x8c: {  	s18 =	sshll.u32 s0, $0xA;
	s2 =	sadd.s32 s3, s2  }
0x8d: {  	s2 =	sadd.s32 s2, s18  }
0x8e: {  	[smem:$0x3FC6] =	sst s2  }
0x8f: {  	_ = 	snop  }
0x90: {  	s2 =	sld [smem:$0x3FC9]  }
0x91: {  	s19 =	sld [smem:$0x3FC8]  }
0x92: {  	s4 =	sld [smem:$0x3FD0];
	(tm) =	ssettm $0x1  }
0x93: {  	s5 =	sld [smem:$0x3FFB];
	_ =	sdelay $0x3  }
0x94: {  	_ =	strace s5  }
0x95: {  	s5 =	sld [smem:$0x3FFC];
	_ =	sdelay $0x3  }
0x96: {  	_ =	strace s5  }
0x97: {  	s5 =	sld [smem:$0x3FFD];
	_ =	sdelay $0x3  }
0x98: {  	_ =	strace s5  }
0x99: {  	_ =	strace $0x8FFFFFFF  }
0x9a: {  	s20 =	sld [smem:$0x3FDB];
	_ =	sdelay $0x1  }
0x9b: {  	s6 =	simm.s32 $_scs_section_size  }
0x9c: {  	s7 =	simm.s32 $_size__tile_overlayer_lowered;
	s8 =	simm.s32 $_tile_overlayer_lowered  }
0x9d: {  	s23 =	simm.s32 $0x1BFF;
	s22 =	sshll.u32 s8, $0x1;
	s5 =	sadd.s32 s6, s20  }
0x9e: {  	s9 =	simm.s32 $0x0;
	s21 =	sshll.u32 s7, $0x1;
	s7 =	sadd.s32 s22, s5  }
0x9f: {  	[timem:s9], [sflag:s23] =	dma.local [hbm:s7], s21  }
0xa0: {  	_ =	swait.ge [sflag:s23], s21  }
0xa1: {  	s6 =	ssub.s32 $0x0, s21;
	[sflag:s23] =	ssyncset.done $0x0  }
0xa2: {  	[sflag:s23] =	ssyncadd.s32 s6;
	_ =	sdelay $0x1  }
0xa3: {  	s24 =	simm.s32 $0x1B8B  }
0xa4: {  	_ =	swait.ge [sflag:s24], $0x1  }
0xa5: {  	[sflag:s24] =	ssyncset.done $0x0  }
0xa6: {  	s25 =	simm.s32 $0x1B8E;
	[sflag:s24] =	ssyncadd.s32 $0xFFFFFFFF  }
0xa7: {  	s26 =	simm.s32 $execute0_lowered;
	[smem:$0x3FD2] =	sst s25  }
0xa8: {  	s6 =	sshll.u32 s26, $0x1;
	_ =	strace $0x80000046;
	[dreg:$0x1] =	wrdreg $0xFFFFFFFF  }
0xa9: {  	s28 =	simm.s32 $_size_execute0_lowered;
	s5 =	sadd.s32 s5, s6;
	[dreg:$0x0] =	wrdreg $0x0  }
0xaa: {  	s6 =	sshll.u32 s28, $0x1;
	[dreg:$0x2] =	wrdreg s5  }
0xab: {  	[dreg:$0x3] =	wrdreg s6  }
0xac: {  	[dreg:$0x4] =	wrdreg $0xC0  }
0xad: {  	_ =	task [dreg:s9], $0x5FFFF  }
0xae: {  	[dreg:$0x1] =	wrdreg $0xFFFFFFFF  }
0xaf: {  	[dreg:$0x0] =	wrdreg $0x60  }
0xb0: {  	[dreg:$0x2] =	wrdreg s2  }
0xb1: {  	[dreg:$0x3] =	wrdreg s19  }
0xb2: {  	[dreg:$0x4] =	wrdreg s4  }
0xb3: {  	[dreg:$0x5] =	wrdreg $0x9  }
0xb4: {  	_ =	task.clear_ibuf [dreg:s9], $0x6FFFF;
	_ =	strace $0x90000046  }
0xb5: {  	s29 =	simm.s32 $0x9;
	_ =	strace $0x80000048  }
0xb6: {  	_ =	swait.ge [sflag:s29], $0x1  }
0xb7: {  	[sflag:s29] =	ssyncadd.s32 $0xFFFFFFFF  }
0xb8: {  	_ =	strace $0x90000048  }
0xb9: {  	_ =	sfence  }
0xba: {  	s30 =	sld [smem:$0x0];
	_ =	sdelay $0x2  }
0xbb: {  	s31 =	sshll.u32 s1, $0xD;
	s1 =	sshrl.u32 s1, $0x2  }
0xbc: {  	s3 =	sand.u32 $0x4000, s31;
	s1 =	sadd.s32 s1, s30  }
0xbd: {  	s0 =	sor.u32 s3, s0;
	s1 =	sshll.u32 s1, $0x11  }
0xbe: {  	s0 =	sor.u32 s1, s0  }
0xbf: {  	s0 =	sadd.s32 $0x8F2B, s0  }
0xc0: {  	[sflag:s0] =	ssyncadd.remote.s32 $0x1  }
0xc1: {  	_ =	sfence.sel $0xFFFF  }
0xc2: {  	[dreg:$0x0] =	wrdreg $0xFFFFFFFF;
	(pc) =	sbr.abs _section_cstart, $3  }
0xc3: {  	[dreg:$0x1] =	wrdreg $0xFFFFFFFF  }
0xc4: {  	_ =	task.clear_ibuf [dreg:s9], $0x2FFFF;
	_ =	strace $0x9FFFFFFF  }
0xc5: {  	(tm) =	ssettm $0x7FFFFFFF  }
tec
execute0_lowered:
.L_overlay_start_1:
0x0: {  	(tag) =	ssettag $0x1  }
0x1: {  	s1 =	rddreg [dreg:$0x0];
	s2 =	srdreg.scid  }
0x2: {  	s0 =	stileid.u32;
	s4 =	rddreg [dreg:$0x1]  }
0x3: {  	s10 =	rddreg [dreg:$0x2];
	s3 =	simm.s32 $0x0;
	s14 =	simm.s32 $0x6400  }
0x4: {  	s15 =	simm.s32 $0xE400;
	s16 =	simm.s32 $0x1;
	s17 =	simm.s32 $0x3  }
0x5: {  	s18 =	simm.s32 $0x200;
	s19 =	simm.s32 $0x2;
	s26 =	smul.u32 $0x640000, s0  }
0x6: {  	s20 =	simm.s32 $0x4;
	s8 =	sand.u32 $0x1, s2;
	s30 =	smul.u32 $0xC8000, s0  }
0x7: {  	s21 =	simm.s32 $0x6300;
	s24 =	sshll.u32 s0, $0x1;
	s28 =	smul.u32 $0x320000, s8  }
0x8: {  	s22 =	simm.s32 $0x0;
	s5 =	sor.u32 s8, s24;
	s13 =	smul.u32 $0x64000, s8  }
0x9: {  	s2 =	rddreg [dreg:$0x3];
	s7 =	ssub.s32 $0x2, s8;
	s6 =	smul.u32 $0x6400, s5  }
0xa: {  	[smem:$0x7FF] =	sst s3;
	s9 =	smul.u32 $0x320000, s5;
	s11 =	sshrl.u32 s7, $0x1  }
0xb: {  	_ =	strace $0x80000047;
	s12 =	smul.u32 $0x64000, s5;
	s25 =	ssub.s32 s7, s11  }
0xc: {  	s11 =	sadd.s32 s28, s26;
	s6 =	sshrl.u32 s6, $0x3;
	s9 =	sshrl.u32 s9, $0x3  }
0xd: {  	s5 =	smax.u32 s25, $0x1;
	s29 =	sadd.s32 s10, s12;
	s11 =	sor.u32 $0x10000, s11  }
0xe: {  	s12 =	sadd.s32 s30, s10;
	s4 =	sadd.s32 s4, s6;
	s6 =	sadd.s32 s10, s9  }
0xf: {  	s7 =	sadd.s32 $0x1000, s29;
	s11 =	sshrl.u32 s11, $0x3;
	s9 =	sadd.s32 $0x63000, s29  }
0x10: {  	s31 =	sadd.s32 s13, s12;
	s12 =	simm.s32 $0x5;
	s13 =	simm.s32 $0x100  }
0x11: {  	s8 =	sadd.s32 $0x62000, s6;
	s10 =	sadd.s32 s11, s10;
	s11 =	sadd.s32 $0x3000, s31  }
.LBB2_1:
0x12: {  	[tilespmem:s3], [sflag:$0x5] =	stream.linear.gather [hbm4b:s4+s3], $0x6400, $0x38;
	[tilespmem:$0x16400] =	vst v63  }
0x13: {  	_ =	swait.ge [sflag:s12], $0x6400  }
0x14: {  	[sflag:s12] =	ssyncset.done $0x0  }
0x15: {  	[sflag:s12] =	ssyncadd.s32 $0xFFFF9C00  }
0x16: {  	[tilespmem:s14], [sflag:$0x1] =	stream.indirect.gather [hbm4b:s1+s13], $0x80, s3, s13, $0xb8;
	[tilespmem:$0x16400] =	vst v63  }
0x17: {  	_ = 	snop  }
0x18: {  	[tilespmem:s15], [sflag:$0x2] =	stream.indirect.gather [hbm4b:s1+s13], $0x80, s13, s13, $0xb8;
	[tilespmem:$0x16400] =	vst v63  }
0x19: {  	_ =	swait.ge [sflag:s16], $0x8000  }
0x1a: {  	[sflag:s16] =	ssyncset.done $0x0  }
0x1b: {  	[sflag:s16] =	ssyncadd.s32 $0xFFFF8000  }
0x1c: {  	[hbm4b:s6+s3] =	stream.linear.scatter [tilespmem:s14], [sflag:$0x3], $0x8000, $0x38;
	[tilespmem:$0x16400] =	vst v63  }
0x1d: {  	_ =	swait.ge [sflag:s17], $0x8000  }
0x1e: {  	[sflag:s17] =	ssyncset.done $0x0  }
0x1f: {  	[sflag:s17] =	ssyncadd.s32 $0xFFFF8000  }
0x20: {  	[tilespmem:s14], [sflag:$0x1] =	stream.indirect.gather [hbm4b:s1+s13], $0x80, s18, s13, $0xb8;
	[tilespmem:$0x16400] =	vst v63  }
0x21: {  	_ =	swait.ge [sflag:s19], $0x8000  }
0x22: {  	[sflag:s19] =	ssyncset.done $0x0  }
0x23: {  	[sflag:s19] =	ssyncadd.s32 $0xFFFF8000  }
0x24: {  	[hbm4b:s7+s3] =	stream.linear.scatter [tilespmem:s15], [sflag:$0x4], $0x8000, $0x38;
	[tilespmem:$0x16400] =	vst v63  }
0x25: {  	_ =	swait.ge [sflag:s20], $0x8000  }
0x26: {  	[sflag:s20] =	ssyncset.done $0x0  }
0x27: {  	s23 =	simm.s32 $0x300;
	[sflag:s20] =	ssyncadd.s32 $0xFFFF8000  }
0x28: {  	[tilespmem:s15], [sflag:$0x2] =	stream.indirect.gather [hbm4b:s1+s13], $0x80, s23, s13, $0xb8;
	[tilespmem:$0x16400] =	vst v63  }
0x29: {  	_ =	swait.ge [sflag:s16], $0x8000  }
0x2a: {  	[sflag:s16] =	ssyncset.done $0x0  }
0x2b: {  	s30 =	sadd.s32 $0x0, s10;
	[sflag:s16] =	ssyncadd.s32 $0xFFFF8000  }
0x2c: {  	[hbm4b:s30+s3] =	stream.linear.scatter [tilespmem:s14], [sflag:$0x3], $0x8000, $0x38;
	[tilespmem:$0x16400] =	vst v63  }
0x2d: {  	_ =	swait.ge [sflag:s17], $0x8000  }
0x2e: {  	[sflag:s17] =	ssyncset.done $0x0  }
0x2f: {  	s31 =	simm.s32 $0x400;
	[sflag:s17] =	ssyncadd.s32 $0xFFFF8000  }
0x30: {  	[tilespmem:s14], [sflag:$0x1] =	stream.indirect.gather [hbm4b:s1+s13], $0x80, s31, s13, $0xb8;
	[tilespmem:$0x16400] =	vst v63  }
0x31: {  	_ =	swait.ge [sflag:s19], $0x8000  }
0x32: {  	s25 =	sadd.s32 $0x0, s11;
	[sflag:s19] =	ssyncset.done $0x0  }
0x33: {  	s24 =	simm.s32 $0x600;
	s23 =	simm.s32 $0x2000;
	[sflag:s19] =	ssyncadd.s32 $0xFFFF8000  }
.LBB2_2:
0x34: {  	[hbm4b:s25+s3] =	stream.linear.scatter [tilespmem:s15], [sflag:$0x4], $0x8000, $0x38;
	[tilespmem:$0x16400] =	vst v63  }
0x35: {  	s25 =	smov.u32 s23  }
0x36: {  	p0 =	sne.s32 s23, $0x5E000;
	s23 =	sadd.s32 $0x2000, s23;
	_ =	swait.ge [sflag:s20], $0x8000  }
0x37: {  	[sflag:s20] =	ssyncset.done $0x0  }
0x38: {  	s26 =	sadd.s32 $0xFFFFFF00, s24;
	[sflag:s20] =	ssyncadd.s32 $0xFFFF8000  }
0x39: {  	[tilespmem:s15], [sflag:$0x2] =	stream.indirect.gather [hbm4b:s1+s13], $0x80, s26, s13, $0xb8;
	[tilespmem:$0x16400] =	vst v63  }
0x3a: {  	_ =	swait.ge [sflag:s16], $0x8000  }
0x3b: {  	[sflag:s16] =	ssyncset.done $0x0  }
0x3c: {  	s26 =	sadd.s32 s25, s10;
	[sflag:s16] =	ssyncadd.s32 $0xFFFF8000  }
0x3d: {  	[hbm4b:s26+s3] =	stream.linear.scatter [tilespmem:s14], [sflag:$0x3], $0x8000, $0x38;
	[tilespmem:$0x16400] =	vst v63  }
0x3e: {  	_ =	swait.ge [sflag:s17], $0x8000  }
0x3f: {  	[sflag:s17] =	ssyncset.done $0x0  }
.Ltmp0:
0x40: {  	[sflag:s17] =	ssyncadd.s32 $0xFFFF8000;
	(pc) =	sbr.rel @p0 .LBB2_2-.Ltmp0, $4  }
0x41: {  	[tilespmem:s14], [sflag:$0x1] =	stream.indirect.gather [hbm4b:s1+s13], $0x80, s24, s13, $0xb8;
	[tilespmem:$0x16400] =	vst v63  }
0x42: {  	_ =	swait.ge [sflag:s19], $0x8000  }
0x43: {  	[sflag:s19] =	ssyncset.done $0x0  }
0x44: {  	s25 =	sadd.s32 s25, s11;
	s24 =	sadd.s32 $0x200, s24;
	[sflag:s19] =	ssyncadd.s32 $0xFFFF8000  }
0x45: {  	[hbm4b:s25+s3] =	stream.linear.scatter [tilespmem:s15], [sflag:$0x4], $0x8000, $0x38;
	[tilespmem:$0x16400] =	vst v63  }
0x46: {  	_ =	swait.ge [sflag:s20], $0x8000  }
0x47: {  	[sflag:s20] =	ssyncset.done $0x0  }
0x48: {  	[sflag:s20] =	ssyncadd.s32 $0xFFFF8000  }
0x49: {  	[tilespmem:s15], [sflag:$0x2] =	stream.indirect.gather [hbm4b:s1+s13], $0x80, s21, s13, $0xb8;
	[tilespmem:$0x16400] =	vst v63  }
0x4a: {  	_ =	swait.ge [sflag:s16], $0x8000  }
0x4b: {  	[sflag:s16] =	ssyncset.done $0x0  }
0x4c: {  	[sflag:s16] =	ssyncadd.s32 $0xFFFF8000  }
0x4d: {  	[hbm4b:s8+s3] =	stream.linear.scatter [tilespmem:s14], [sflag:$0x3], $0x8000, $0x38;
	[tilespmem:$0x16400] =	vst v63  }
0x4e: {  	_ =	swait.ge [sflag:s19], $0x8000  }
0x4f: {  	[sflag:s19] =	ssyncset.done $0x0  }
0x50: {  	s22 =	sadd.s32 $0x1, s22;
	[sflag:s19] =	ssyncadd.s32 $0xFFFF8000  }
0x51: {  	[hbm4b:s9+s3] =	stream.linear.scatter [tilespmem:s15], [sflag:$0x4], $0x8000, $0x38;
	[tilespmem:$0x16400] =	vst v63  }
0x52: {  	p0 =	sne.s32 s22, s5;
	_ =	swait.ge [sflag:s17], $0x8000  }
.Ltmp1:
0x53: {  	[sflag:s17] =	ssyncset.done $0x0;
	(pc) =	sbr.rel @p0 .LBB2_1-.Ltmp1, $4  }
0x54: {  	[sflag:s17] =	ssyncadd.s32 $0xFFFF8000  }
0x55: {  	_ =	swait.ge [sflag:s20], $0x8000  }
0x56: {  	[sflag:s20] =	ssyncset.done $0x0  }
0x57: {  	[sflag:s20] =	ssyncadd.s32 $0xFFFF8000  }
0x58: {  	_ =	sfence.sel $0x180000  }
0x59: {  	[bflag:$0x0] =	sbarrier.arrive $0xFFFF  }
0x5a: {  	p0 =	sne.s32 s0, $0x0;
	_ =	strace $0x90000047  }
0x5b: {  	s0 =	sadd.s32 @!p0 $0x100000, s2;
	[bflag:$0x2] =	sbarrier.arrive $0xFFFF  }
0x5c: {  	[sflag:s0] =	ssyncadd.tile.s32 @!p0 $0x1;
	_ =	shalt  }
.Lfunc_end2:
_tile_overlayer_lowered:
.L_overlay_start_2:
0x5d: {  	(tag) =	ssettag $0x2  }
0x5e: {  	s0 =	rddreg [dreg:$0x0];
	s2 =	stileid.u32  }
0x5f: {  	s1 =	rddreg [dreg:$0x1];
	p0 =	sne.s32 s2, $0x0  }
0x60: {  	s3 =	rddreg [dreg:$0x2];
	[bflag:$0x3] =	sbarrier.arrive $0xFFFF;
	s2 =	simm.s32 @!p0 $0x1C05  }
0x61: {  	[timem:s3], [sflag:s2] =	dma.local @!p0 [hbm:s0], s1  }
0x62: {  	s0 =	simm.s32 @!p0 $0x5  }
0x63: {  	_ =	swait.ge @!p0 [sflag:s0], s1  }
0x64: {  	s1 =	ssub.s32 @!p0 $0x0, s1;
	[sflag:s0] =	ssyncset.done @!p0 $0x0  }
0x65: {  	[sflag:s0] =	ssyncadd.s32 @!p0 s1  }
0x66: {  	[bflag:$0x3] =	sbarrier.arrive $0xFFFF  }
0x67: {  	_ =	shalt  }

</sc_bundles>
